<compile_context>
chip_gen: v7x
topology: tpu7x:2x2x1
jax: 0.10.2.dev20260603
libtpu: 0.0.44.dev20260713+nightly
codegen_flags: <defaults>
</compile_context>

<pallas_src>
import functools

import jax
import jax.numpy as jnp
from jax import lax
from jax.experimental import pallas as pl
from jax.experimental.pallas import tpu as pltpu
from jax.experimental.pallas import tpu_sc as plsc

GAMMA = 2.0


_COLS_PER_BLOCK = 512
_N_STREAMS = 4


def _colstats_body(*refs):
    xs = refs[:_N_STREAMS]
    labs = refs[_N_STREAMS:2 * _N_STREAMS]
    lz_ref, xl_ref = refs[-2], refs[-1]
    w = xs[0].shape[1]
    for k in range(_N_STREAMS):
        x = xs[k][...]
        lab = labs[k][...]
        m = jnp.max(x, axis=0, keepdims=True)
        s = jnp.sum(jnp.exp(x - m), axis=0, keepdims=True)
        cls = lax.broadcasted_iota(jnp.int32, x.shape, 0)
        xl = jnp.sum(jnp.where(cls == lab, x, 0.0), axis=0, keepdims=True)
        lz_ref[:, pl.ds(k * w, w)] = m + jnp.log(s)
        xl_ref[:, pl.ds(k * w, w)] = xl


def _colstats(logits_t, labels_row):
    c, b = logits_t.shape
    w = _COLS_PER_BLOCK
    ns = _N_STREAMS
    nblk = b // (w * ns)
    x_specs = [
        pl.BlockSpec((c, w), functools.partial(lambda k, i: (0, i * ns + k), k))
        for k in range(ns)
    ]
    lab_specs = [
        pl.BlockSpec((1, w), functools.partial(lambda k, i: (0, i * ns + k), k))
        for k in range(ns)
    ]
    out_sds = jax.ShapeDtypeStruct((1, b), jnp.float32)
    return pl.pallas_call(
        _colstats_body,
        grid=(nblk,),
        in_specs=x_specs + lab_specs,
        out_specs=[pl.BlockSpec((1, w * ns), lambda i: (0, i))] * 2,
        out_shape=[out_sds, out_sds],
    )(*([logits_t] * ns + [labels_row] * ns))



_LANES = 16
_CHUNK = 128


def _sc_alpha_body(nc, chunks_per_w, labels_hbm, alpha_hbm, al_hbm,
                   lab_v, al_v, sem):
    wid = lax.axis_index("s") * nc + lax.axis_index("c")
    row0 = wid * chunks_per_w
    pltpu.sync_copy(labels_hbm.at[pl.ds(row0, chunks_per_w)], lab_v)
    copies = []
    for j in range(chunks_per_w):
        copies.append(
            pltpu.async_copy(alpha_hbm.at[lab_v.at[j]], al_v.at[j], sem))
    for cp in copies:
        cp.wait()
    pltpu.sync_copy(al_v, al_hbm.at[pl.ds(row0, chunks_per_w)])


def _sc_alpha_gather(labels2d, alpha_flat):
    nrows, _ = labels2d.shape
    info = plsc.get_sparse_core_info()
    nc, ns = info.num_cores, info.num_subcores
    nw = nc * ns
    chunks_per_w = nrows // nw
    mesh = plsc.VectorSubcoreMesh(core_axis_name="c", subcore_axis_name="s")
    out_sds = jax.ShapeDtypeStruct((nrows, _CHUNK), jnp.float32)
    k = pl.kernel(
        functools.partial(_sc_alpha_body, nc, chunks_per_w),
        mesh=mesh,
        out_type=[out_sds],
        scratch_types=[
            pltpu.VMEM((chunks_per_w, _CHUNK), jnp.int32),
            pltpu.VMEM((chunks_per_w, _CHUNK), jnp.float32),
            pltpu.SemaphoreType.DMA,
        ],
    )
    return k(labels2d, alpha_flat)



def _combine_body(xl_ref, al_ref, lz_ref, out_ref):
    logp = xl_ref[...] - lz_ref[...]
    p = jnp.exp(logp)
    q = 1.0 - p
    loss = -al_ref[...] * q * q * logp
    out_ref[...] = (jnp.sum(loss) / loss.size).reshape(1, 1)


def _combine(xl_row, al_row, lz_row):
    return pl.pallas_call(
        _combine_body,
        out_shape=jax.ShapeDtypeStruct((1, 1), jnp.float32),
    )(xl_row, al_row, lz_row)


def kernel(logits, labels, alpha):
    b, c = logits.shape
    labels = labels.astype(jnp.int32)
    labels2d = labels.reshape(b // _CHUNK, _CHUNK)
    (al2d,) = _sc_alpha_gather(labels2d, alpha.reshape(-1))
    lz, xl = _colstats(logits.T, labels.reshape(1, b))
    loss = _combine(xl, al2d.reshape(1, b), lz)
    return loss[0, 0]

# --- scband reference (transcript-rebuilt; emitter-appended) ---
"""Pipeline reference for scband-focal-loss-30880814859106 (READ-ONLY COPY).

The authoritative reference and input builder live on the scoring server;
editing this copy changes nothing except your own understanding.
"""

import jax, jax.numpy as jnp
import numpy as np

CLASS_NUM = 1000
GAMMA = 2
BATCH = 16384


def setup_inputs(seed: int = 0) -> dict:
    key = jax.random.key(seed)
    k1, k2 = jax.random.split(key)
    logits = jax.random.normal(k1, (BATCH, CLASS_NUM), dtype=jnp.float32)
    labels = jax.random.randint(k2, (BATCH,), 0, CLASS_NUM, dtype=jnp.int64 if jax.config.jax_enable_x64 else jnp.int32)
    # alpha defaults to ones(class_num, 1) in the torch module
    alpha = jnp.ones((CLASS_NUM, 1), dtype=jnp.float32)
    return {"logits": logits, "labels": labels, "alpha": alpha}


def reference(logits, labels, alpha):
    # P = F.softmax(logits)  -> softmax over class dim (dim=1 for 2D input)
    P = jax.nn.softmax(logits, axis=1)
    # class_mask: one-hot via scatter-overwrite, faithful to scatter_(dim=1, index=ids, value=1.0)
    ids = labels.reshape(-1)
    class_mask = jnp.zeros_like(logits).at[jnp.arange(logits.shape[0]), ids].set(1.0)
    # alpha gather: self.alpha[ids] -> [B, 1]
    a = alpha[ids]
    probs = (P * class_mask).sum(axis=1).reshape(-1, 1)
    log_probs = jnp.log(probs)
    batch_loss = -a * jnp.power(1.0 - probs, GAMMA) * log_probs
    # size_average=True -> mean
    loss = batch_loss.mean()
    return loss

if __name__ == "__main__":
    import jax
    _d = setup_inputs()
    print(jax.jit(kernel)(*tuple(_d.values())))

</pallas_src>

<mosaic_0001>
#map = affine_map<(d0, d1) -> (0, 0)>
#map1 = affine_map<(d0, d1) -> (0)>
module attributes {stable_mosaic.version = 14 : i64} {
  func.func @_sc_alpha_body(%arg0: i32, %arg1: i32, %arg2: memref<128x128xi32, #tpu.memory_space<hbm>>, %arg3: memref<1000xf32, #tpu.memory_space<hbm>>, %arg4: memref<128x128xf32, #tpu.memory_space<hbm>>, %arg5: memref<4x128xi32, #tpu.memory_space<vmem>>, %arg6: memref<4x128xf32, #tpu.memory_space<vmem>>, %arg7: memref<!tpu.dma_semaphore, #tpu.memory_space<semaphore_mem>>) attributes {dimension_semantics = [#tpu.dimension_semantics<core_parallel>, #tpu.dimension_semantics<subcore_parallel>], iteration_bounds = array<i64: 2, 16>, scalar_prefetch = 0 : i64, scratch_operands = 3 : i64, tpu.core_type = #tpu.core_type<sc_vector_subcore>, window_params = [{transform_indices = #map}, {transform_indices = #map1}, {transform_indices = #map}]} {
    %mul3A = arith.constant 2 : i32
    %mul3A_0 = arith.muli %arg1, %mul3A : i32
    %add3A = arith.addi %mul3A_0, %arg0 : i32
    %mul3A_1 = arith.constant 4 : i32
    %mul3A_2 = arith.muli %add3A, %mul3A_1 : i32
    "tpu.region"() ({
      %run_scoped3A = tpu.sem_alloc : memref<!tpu.dma_semaphore, #tpu.memory_space<semaphore_mem>>
      %dma_start3A_81 = arith.constant 0 : i32
      %dma_start3A_82 = tpu.memref_slice %arg2[%mul3A_2, %dma_start3A_81] : memref<128x128xi32, #tpu.memory_space<hbm>> -> memref<4x128xi32, #tpu.memory_space<hbm>>
      %dma_start3A_83 = arith.constant 0 : i32
      %dma_start3A_84 = tpu.memref_slice %arg2[%mul3A_2, %dma_start3A_83] : memref<128x128xi32, #tpu.memory_space<hbm>> -> memref<4x128xi32, #tpu.memory_space<hbm>>
      tpu.enqueue_dma source(%dma_start3A_84 : memref<4x128xi32, #tpu.memory_space<hbm>>) target(%arg5 : memref<4x128xi32, #tpu.memory_space<vmem>>) target_semaphore(%run_scoped3A : memref<!tpu.dma_semaphore, #tpu.memory_space<semaphore_mem>>)
      %dma_wait3A_85 = arith.constant 0 : i32
      %dma_wait3A_86 = tpu.memref_slice %arg2[%mul3A_2, %dma_wait3A_85] : memref<128x128xi32, #tpu.memory_space<hbm>> -> memref<4x128xi32, #tpu.memory_space<hbm>>
      %dma_wait3A_87 = arith.constant 0 : i32
      %dma_wait3A_88 = tpu.memref_slice %arg2[%mul3A_2, %dma_wait3A_87] : memref<128x128xi32, #tpu.memory_space<hbm>> -> memref<4x128xi32, #tpu.memory_space<hbm>>
      tpu.wait_dma2 semaphore(%run_scoped3A : memref<!tpu.dma_semaphore, #tpu.memory_space<semaphore_mem>>) src(%dma_wait3A_88 : memref<4x128xi32, #tpu.memory_space<hbm>>) dst(%arg5 : memref<4x128xi32, #tpu.memory_space<vmem>>)
      tpu.yield
    }) : () -> ()
    %dma_start3A = arith.constant 0 : i32
    %dma_start3A_3 = arith.constant 0 : i32
    %dma_start3A_4 = arith.constant 0 : i32
    %dma_start3A_5 = tpu.memref_slice %arg6[%dma_start3A_3, %dma_start3A_4] : memref<4x128xf32, #tpu.memory_space<vmem>> -> memref<1x128xf32, #tpu.memory_space<vmem>>
    %dma_start3A_6 = tpu.memref_squeeze %dma_start3A_5 : memref<1x128xf32, #tpu.memory_space<vmem>> -> memref<128xf32, #tpu.memory_space<vmem>>
    %dma_start3A_7 = arith.constant 0 : i32
    %dma_start3A_8 = tpu.memref_slice %arg5[%dma_start3A, %dma_start3A_7] : memref<4x128xi32, #tpu.memory_space<vmem>> -> memref<1x128xi32, #tpu.memory_space<vmem>>
    %dma_start3A_9 = tpu.memref_squeeze %dma_start3A_8 : memref<1x128xi32, #tpu.memory_space<vmem>> -> memref<128xi32, #tpu.memory_space<vmem>>
    %dma_start3A_10 = arith.constant 0 : i32
    %dma_start3A_11 = tpu.memref_slice %arg3[%dma_start3A_10] : memref<1000xf32, #tpu.memory_space<hbm>> -> memref<1000xf32, #tpu.memory_space<hbm>>
    tpu.enqueue_indirect_dma source(%dma_start3A_11 : memref<1000xf32, #tpu.memory_space<hbm>>) target(%dma_start3A_6 : memref<128xf32, #tpu.memory_space<vmem>>) offsets(%dma_start3A_9 : memref<128xi32, #tpu.memory_space<vmem>>) semaphore(%arg7 : memref<!tpu.dma_semaphore, #tpu.memory_space<semaphore_mem>>)
    %dma_start3A_12 = arith.constant 1 : i32
    %dma_start3A_13 = arith.constant 1 : i32
    %dma_start3A_14 = arith.constant 0 : i32
    %dma_start3A_15 = tpu.memref_slice %arg6[%dma_start3A_13, %dma_start3A_14] : memref<4x128xf32, #tpu.memory_space<vmem>> -> memref<1x128xf32, #tpu.memory_space<vmem>>
    %dma_start3A_16 = tpu.memref_squeeze %dma_start3A_15 : memref<1x128xf32, #tpu.memory_space<vmem>> -> memref<128xf32, #tpu.memory_space<vmem>>
    %dma_start3A_17 = arith.constant 0 : i32
    %dma_start3A_18 = tpu.memref_slice %arg5[%dma_start3A_12, %dma_start3A_17] : memref<4x128xi32, #tpu.memory_space<vmem>> -> memref<1x128xi32, #tpu.memory_space<vmem>>
    %dma_start3A_19 = tpu.memref_squeeze %dma_start3A_18 : memref<1x128xi32, #tpu.memory_space<vmem>> -> memref<128xi32, #tpu.memory_space<vmem>>
    %dma_start3A_20 = arith.constant 0 : i32
    %dma_start3A_21 = tpu.memref_slice %arg3[%dma_start3A_20] : memref<1000xf32, #tpu.memory_space<hbm>> -> memref<1000xf32, #tpu.memory_space<hbm>>
    tpu.enqueue_indirect_dma source(%dma_start3A_21 : memref<1000xf32, #tpu.memory_space<hbm>>) target(%dma_start3A_16 : memref<128xf32, #tpu.memory_space<vmem>>) offsets(%dma_start3A_19 : memref<128xi32, #tpu.memory_space<vmem>>) semaphore(%arg7 : memref<!tpu.dma_semaphore, #tpu.memory_space<semaphore_mem>>)
    %dma_start3A_22 = arith.constant 2 : i32
    %dma_start3A_23 = arith.constant 2 : i32
    %dma_start3A_24 = arith.constant 0 : i32
    %dma_start3A_25 = tpu.memref_slice %arg6[%dma_start3A_23, %dma_start3A_24] : memref<4x128xf32, #tpu.memory_space<vmem>> -> memref<1x128xf32, #tpu.memory_space<vmem>>
    %dma_start3A_26 = tpu.memref_squeeze %dma_start3A_25 : memref<1x128xf32, #tpu.memory_space<vmem>> -> memref<128xf32, #tpu.memory_space<vmem>>
    %dma_start3A_27 = arith.constant 0 : i32
    %dma_start3A_28 = tpu.memref_slice %arg5[%dma_start3A_22, %dma_start3A_27] : memref<4x128xi32, #tpu.memory_space<vmem>> -> memref<1x128xi32, #tpu.memory_space<vmem>>
    %dma_start3A_29 = tpu.memref_squeeze %dma_start3A_28 : memref<1x128xi32, #tpu.memory_space<vmem>> -> memref<128xi32, #tpu.memory_space<vmem>>
    %dma_start3A_30 = arith.constant 0 : i32
    %dma_start3A_31 = tpu.memref_slice %arg3[%dma_start3A_30] : memref<1000xf32, #tpu.memory_space<hbm>> -> memref<1000xf32, #tpu.memory_space<hbm>>
    tpu.enqueue_indirect_dma source(%dma_start3A_31 : memref<1000xf32, #tpu.memory_space<hbm>>) target(%dma_start3A_26 : memref<128xf32, #tpu.memory_space<vmem>>) offsets(%dma_start3A_29 : memref<128xi32, #tpu.memory_space<vmem>>) semaphore(%arg7 : memref<!tpu.dma_semaphore, #tpu.memory_space<semaphore_mem>>)
    %dma_start3A_32 = arith.constant 3 : i32
    %dma_start3A_33 = arith.constant 3 : i32
    %dma_start3A_34 = arith.constant 0 : i32
    %dma_start3A_35 = tpu.memref_slice %arg6[%dma_start3A_33, %dma_start3A_34] : memref<4x128xf32, #tpu.memory_space<vmem>> -> memref<1x128xf32, #tpu.memory_space<vmem>>
    %dma_start3A_36 = tpu.memref_squeeze %dma_start3A_35 : memref<1x128xf32, #tpu.memory_space<vmem>> -> memref<128xf32, #tpu.memory_space<vmem>>
    %dma_start3A_37 = arith.constant 0 : i32
    %dma_start3A_38 = tpu.memref_slice %arg5[%dma_start3A_32, %dma_start3A_37] : memref<4x128xi32, #tpu.memory_space<vmem>> -> memref<1x128xi32, #tpu.memory_space<vmem>>
    %dma_start3A_39 = tpu.memref_squeeze %dma_start3A_38 : memref<1x128xi32, #tpu.memory_space<vmem>> -> memref<128xi32, #tpu.memory_space<vmem>>
    %dma_start3A_40 = arith.constant 0 : i32
    %dma_start3A_41 = tpu.memref_slice %arg3[%dma_start3A_40] : memref<1000xf32, #tpu.memory_space<hbm>> -> memref<1000xf32, #tpu.memory_space<hbm>>
    tpu.enqueue_indirect_dma source(%dma_start3A_41 : memref<1000xf32, #tpu.memory_space<hbm>>) target(%dma_start3A_36 : memref<128xf32, #tpu.memory_space<vmem>>) offsets(%dma_start3A_39 : memref<128xi32, #tpu.memory_space<vmem>>) semaphore(%arg7 : memref<!tpu.dma_semaphore, #tpu.memory_space<semaphore_mem>>)
    %dma_wait3A = arith.constant 0 : i32
    %dma_wait3A_42 = arith.constant 0 : i32
    %dma_wait3A_43 = arith.constant 0 : i32
    %dma_wait3A_44 = tpu.memref_slice %arg6[%dma_wait3A_42, %dma_wait3A_43] : memref<4x128xf32, #tpu.memory_space<vmem>> -> memref<1x128xf32, #tpu.memory_space<vmem>>
    %dma_wait3A_45 = tpu.memref_squeeze %dma_wait3A_44 : memref<1x128xf32, #tpu.memory_space<vmem>> -> memref<128xf32, #tpu.memory_space<vmem>>
    %dma_wait3A_46 = arith.constant 0 : i32
    %dma_wait3A_47 = tpu.memref_slice %arg5[%dma_wait3A, %dma_wait3A_46] : memref<4x128xi32, #tpu.memory_space<vmem>> -> memref<1x128xi32, #tpu.memory_space<vmem>>
    %dma_wait3A_48 = tpu.memref_squeeze %dma_wait3A_47 : memref<1x128xi32, #tpu.memory_space<vmem>> -> memref<128xi32, #tpu.memory_space<vmem>>
    %dma_wait3A_49 = arith.constant 0 : i32
    %dma_wait3A_50 = tpu.memref_slice %arg3[%dma_wait3A_49] : memref<1000xf32, #tpu.memory_space<hbm>> -> memref<1000xf32, #tpu.memory_space<hbm>>
    tpu.wait_indirect_dma semaphore(%arg7 : memref<!tpu.dma_semaphore, #tpu.memory_space<semaphore_mem>>) src(%dma_wait3A_50 : memref<1000xf32, #tpu.memory_space<hbm>>) dst(%dma_wait3A_45 : memref<128xf32, #tpu.memory_space<vmem>>)
    %dma_wait3A_51 = arith.constant 1 : i32
    %dma_wait3A_52 = arith.constant 1 : i32
    %dma_wait3A_53 = arith.constant 0 : i32
    %dma_wait3A_54 = tpu.memref_slice %arg6[%dma_wait3A_52, %dma_wait3A_53] : memref<4x128xf32, #tpu.memory_space<vmem>> -> memref<1x128xf32, #tpu.memory_space<vmem>>
    %dma_wait3A_55 = tpu.memref_squeeze %dma_wait3A_54 : memref<1x128xf32, #tpu.memory_space<vmem>> -> memref<128xf32, #tpu.memory_space<vmem>>
    %dma_wait3A_56 = arith.constant 0 : i32
    %dma_wait3A_57 = tpu.memref_slice %arg5[%dma_wait3A_51, %dma_wait3A_56] : memref<4x128xi32, #tpu.memory_space<vmem>> -> memref<1x128xi32, #tpu.memory_space<vmem>>
    %dma_wait3A_58 = tpu.memref_squeeze %dma_wait3A_57 : memref<1x128xi32, #tpu.memory_space<vmem>> -> memref<128xi32, #tpu.memory_space<vmem>>
    %dma_wait3A_59 = arith.constant 0 : i32
    %dma_wait3A_60 = tpu.memref_slice %arg3[%dma_wait3A_59] : memref<1000xf32, #tpu.memory_space<hbm>> -> memref<1000xf32, #tpu.memory_space<hbm>>
    tpu.wait_indirect_dma semaphore(%arg7 : memref<!tpu.dma_semaphore, #tpu.memory_space<semaphore_mem>>) src(%dma_wait3A_60 : memref<1000xf32, #tpu.memory_space<hbm>>) dst(%dma_wait3A_55 : memref<128xf32, #tpu.memory_space<vmem>>)
    %dma_wait3A_61 = arith.constant 2 : i32
    %dma_wait3A_62 = arith.constant 2 : i32
    %dma_wait3A_63 = arith.constant 0 : i32
    %dma_wait3A_64 = tpu.memref_slice %arg6[%dma_wait3A_62, %dma_wait3A_63] : memref<4x128xf32, #tpu.memory_space<vmem>> -> memref<1x128xf32, #tpu.memory_space<vmem>>
    %dma_wait3A_65 = tpu.memref_squeeze %dma_wait3A_64 : memref<1x128xf32, #tpu.memory_space<vmem>> -> memref<128xf32, #tpu.memory_space<vmem>>
    %dma_wait3A_66 = arith.constant 0 : i32
    %dma_wait3A_67 = tpu.memref_slice %arg5[%dma_wait3A_61, %dma_wait3A_66] : memref<4x128xi32, #tpu.memory_space<vmem>> -> memref<1x128xi32, #tpu.memory_space<vmem>>
    %dma_wait3A_68 = tpu.memref_squeeze %dma_wait3A_67 : memref<1x128xi32, #tpu.memory_space<vmem>> -> memref<128xi32, #tpu.memory_space<vmem>>
    %dma_wait3A_69 = arith.constant 0 : i32
    %dma_wait3A_70 = tpu.memref_slice %arg3[%dma_wait3A_69] : memref<1000xf32, #tpu.memory_space<hbm>> -> memref<1000xf32, #tpu.memory_space<hbm>>
    tpu.wait_indirect_dma semaphore(%arg7 : memref<!tpu.dma_semaphore, #tpu.memory_space<semaphore_mem>>) src(%dma_wait3A_70 : memref<1000xf32, #tpu.memory_space<hbm>>) dst(%dma_wait3A_65 : memref<128xf32, #tpu.memory_space<vmem>>)
    %dma_wait3A_71 = arith.constant 3 : i32
    %dma_wait3A_72 = arith.constant 3 : i32
    %dma_wait3A_73 = arith.constant 0 : i32
    %dma_wait3A_74 = tpu.memref_slice %arg6[%dma_wait3A_72, %dma_wait3A_73] : memref<4x128xf32, #tpu.memory_space<vmem>> -> memref<1x128xf32, #tpu.memory_space<vmem>>
    %dma_wait3A_75 = tpu.memref_squeeze %dma_wait3A_74 : memref<1x128xf32, #tpu.memory_space<vmem>> -> memref<128xf32, #tpu.memory_space<vmem>>
    %dma_wait3A_76 = arith.constant 0 : i32
    %dma_wait3A_77 = tpu.memref_slice %arg5[%dma_wait3A_71, %dma_wait3A_76] : memref<4x128xi32, #tpu.memory_space<vmem>> -> memref<1x128xi32, #tpu.memory_space<vmem>>
    %dma_wait3A_78 = tpu.memref_squeeze %dma_wait3A_77 : memref<1x128xi32, #tpu.memory_space<vmem>> -> memref<128xi32, #tpu.memory_space<vmem>>
    %dma_wait3A_79 = arith.constant 0 : i32
    %dma_wait3A_80 = tpu.memref_slice %arg3[%dma_wait3A_79] : memref<1000xf32, #tpu.memory_space<hbm>> -> memref<1000xf32, #tpu.memory_space<hbm>>
    tpu.wait_indirect_dma semaphore(%arg7 : memref<!tpu.dma_semaphore, #tpu.memory_space<semaphore_mem>>) src(%dma_wait3A_80 : memref<1000xf32, #tpu.memory_space<hbm>>) dst(%dma_wait3A_75 : memref<128xf32, #tpu.memory_space<vmem>>)
    "tpu.region"() ({
      %run_scoped3A = tpu.sem_alloc : memref<!tpu.dma_semaphore, #tpu.memory_space<semaphore_mem>>
      %dma_start3A_81 = arith.constant 0 : i32
      %dma_start3A_82 = tpu.memref_slice %arg4[%mul3A_2, %dma_start3A_81] : memref<128x128xf32, #tpu.memory_space<hbm>> -> memref<4x128xf32, #tpu.memory_space<hbm>>
      %dma_start3A_83 = arith.constant 0 : i32
      %dma_start3A_84 = tpu.memref_slice %arg4[%mul3A_2, %dma_start3A_83] : memref<128x128xf32, #tpu.memory_space<hbm>> -> memref<4x128xf32, #tpu.memory_space<hbm>>
      tpu.enqueue_dma source(%arg6 : memref<4x128xf32, #tpu.memory_space<vmem>>) target(%dma_start3A_84 : memref<4x128xf32, #tpu.memory_space<hbm>>) target_semaphore(%run_scoped3A : memref<!tpu.dma_semaphore, #tpu.memory_space<semaphore_mem>>)
      %dma_wait3A_85 = arith.constant 0 : i32
      %dma_wait3A_86 = tpu.memref_slice %arg4[%mul3A_2, %dma_wait3A_85] : memref<128x128xf32, #tpu.memory_space<hbm>> -> memref<4x128xf32, #tpu.memory_space<hbm>>
      %dma_wait3A_87 = arith.constant 0 : i32
      %dma_wait3A_88 = tpu.memref_slice %arg4[%mul3A_2, %dma_wait3A_87] : memref<128x128xf32, #tpu.memory_space<hbm>> -> memref<4x128xf32, #tpu.memory_space<hbm>>
      tpu.wait_dma2 semaphore(%run_scoped3A : memref<!tpu.dma_semaphore, #tpu.memory_space<semaphore_mem>>) src(%arg6 : memref<4x128xf32, #tpu.memory_space<vmem>>) dst(%dma_wait3A_88 : memref<4x128xf32, #tpu.memory_space<hbm>>)
      tpu.yield
    }) : () -> ()
    return
  }
}

module attributes {stable_mosaic.version = 14 : i64} {
  func.func @_combine_body(%arg0: memref<1x16384xf32, #tpu.memory_space<vmem>>, %arg1: memref<1x16384xf32, #tpu.memory_space<vmem>>, %arg2: memref<1x16384xf32, #tpu.memory_space<vmem>>, %arg3: memref<1x1xf32, #tpu.memory_space<vmem>>) attributes {dimension_semantics = [], scalar_prefetch = 0 : i64, scratch_operands = 0 : i64, tpu.core_type = #tpu.core_type<tc>} {
    %get3A = arith.constant 0 : index
    %get3A_0 = arith.constant 0 : index
    %get3A_1 = vector.load %arg0[%get3A, %get3A_0] : memref<1x16384xf32, #tpu.memory_space<vmem>>, vector<1x16384xf32>
    %get3A_2 = arith.constant 0 : index
    %get3A_3 = arith.constant 0 : index
    %get3A_4 = vector.load %arg2[%get3A_2, %get3A_3] : memref<1x16384xf32, #tpu.memory_space<vmem>>, vector<1x16384xf32>
    %sub3A = arith.subf %get3A_1, %get3A_4 : vector<1x16384xf32>
    %exp3A = math.exp %sub3A : vector<1x16384xf32>
    %sub3A_5 = arith.constant 1.000000e+00 : f32
    %sub3A_6 = vector.broadcast %sub3A_5 : f32 to vector<1x16384xf32>
    %sub3A_7 = arith.subf %sub3A_6, %exp3A : vector<1x16384xf32>
    %get3A_8 = arith.constant 0 : index
    %get3A_9 = arith.constant 0 : index
    %get3A_10 = vector.load %arg1[%get3A_8, %get3A_9] : memref<1x16384xf32, #tpu.memory_space<vmem>>, vector<1x16384xf32>
    %neg3A = arith.constant 0.000000e+00 : f32
    %neg3A_11 = vector.broadcast %neg3A : f32 to vector<1x16384xf32>
    %neg3A_12 = arith.subf %neg3A_11, %get3A_10 : vector<1x16384xf32>
    %mul3A = arith.mulf %neg3A_12, %sub3A_7 : vector<1x16384xf32>
    %mul3A_13 = arith.mulf %mul3A, %sub3A_7 : vector<1x16384xf32>
    %mul3A_14 = arith.mulf %mul3A_13, %sub3A : vector<1x16384xf32>
    %reduce_sum3A = vector.shape_cast %mul3A_14 : vector<1x16384xf32> to vector<1x1x16384xf32>
    %reduce_sum3A_15 = arith.constant dense<0.000000e+00> : vector<1xf32>
    %reduce_sum3A_16 = vector.multi_reduction <add>, %reduce_sum3A, %reduce_sum3A_15 [1, 2] : vector<1x1x16384xf32> to vector<1xf32>
    %reduce_sum3A_17 = vector.shape_cast %reduce_sum3A_16 : vector<1xf32> to vector<1x1x1xf32>
    %reduce_sum3A_18 = vector.extract %reduce_sum3A_17[0, 0, 0] : f32 from vector<1x1x1xf32>
    %div3A = arith.constant 1.638400e+04 : f32
    %div3A_19 = arith.divf %reduce_sum3A_18, %div3A : f32
    %reshape3A = vector.broadcast %div3A_19 : f32 to vector<1x1xf32>
    %swap3A = arith.constant 0 : index
    %swap3A_20 = arith.constant 0 : index
    %swap3A_21 = vector.load %arg3[%swap3A, %swap3A_20] : memref<1x1xf32, #tpu.memory_space<vmem>>, vector<1x1xf32>
    tpu.vector_store %arg3[%swap3A, %swap3A_20], %reshape3A {strides = array<i32>} : memref<1x1xf32, #tpu.memory_space<vmem>>, vector<1x1xf32>,
    return
  }
}

module attributes {stable_mosaic.version = 14 : i64} {
  func.func @_colstats_body(%arg0: i32, %arg1: memref<1000x512xf32, #tpu.memory_space<vmem>>, %arg2: memref<1000x512xf32, #tpu.memory_space<vmem>>, %arg3: memref<1000x512xf32, #tpu.memory_space<vmem>>, %arg4: memref<1000x512xf32, #tpu.memory_space<vmem>>, %arg5: memref<1x512xi32, #tpu.memory_space<vmem>>, %arg6: memref<1x512xi32, #tpu.memory_space<vmem>>, %arg7: memref<1x512xi32, #tpu.memory_space<vmem>>, %arg8: memref<1x512xi32, #tpu.memory_space<vmem>>, %arg9: memref<1x2048xf32, #tpu.memory_space<vmem>>, %arg10: memref<1x2048xf32, #tpu.memory_space<vmem>>) attributes {dimension_semantics = [#tpu.dimension_semantics<arbitrary>], iteration_bounds = array<i64: 8>, scalar_prefetch = 0 : i64, scratch_operands = 0 : i64, tpu.core_type = #tpu.core_type<tc>, window_params = [{transform_indices = @transform_0, window_bounds = array<i64: 1000, 512>}, {transform_indices = @transform_1, window_bounds = array<i64: 1000, 512>}, {transform_indices = @transform_2, window_bounds = array<i64: 1000, 512>}, {transform_indices = @transform_3, window_bounds = array<i64: 1000, 512>}, {transform_indices = @transform_4, window_bounds = array<i64: 1, 512>}, {transform_indices = @transform_5, window_bounds = array<i64: 1, 512>}, {transform_indices = @transform_6, window_bounds = array<i64: 1, 512>}, {transform_indices = @transform_7, window_bounds = array<i64: 1, 512>}, {transform_indices = @transform_8, window_bounds = array<i64: 1, 2048>}, {transform_indices = @transform_9, window_bounds = array<i64: 1, 2048>}]} {
    %get3A = arith.constant 0 : index
    %get3A_0 = arith.constant 0 : index
    %get3A_1 = vector.load %arg1[%get3A, %get3A_0] : memref<1000x512xf32, #tpu.memory_space<vmem>>, vector<1000x512xf32>
    %get3A_2 = arith.constant 0 : index
    %get3A_3 = arith.constant 0 : index
    %get3A_4 = vector.load %arg5[%get3A_2, %get3A_3] : memref<1x512xi32, #tpu.memory_space<vmem>>, vector<1x512xi32>
    %reduce_max3A = arith.constant dense<0xFF800000> : vector<512xf32>
    %reduce_max3A_5 = vector.multi_reduction <maximumf>, %get3A_1, %reduce_max3A [0] : vector<1000x512xf32> to vector<512xf32>
    %broadcast_in_dim3A = vector.shape_cast %reduce_max3A_5 : vector<512xf32> to vector<1x512xf32>
    %sub3A = vector.broadcast %broadcast_in_dim3A : vector<1x512xf32> to vector<1000x512xf32>
    %sub3A_6 = arith.subf %get3A_1, %sub3A : vector<1000x512xf32>
    %exp3A = math.exp %sub3A_6 : vector<1000x512xf32>
    %reduce_sum3A = arith.constant dense<0.000000e+00> : vector<512xf32>
    %reduce_sum3A_7 = vector.multi_reduction <add>, %exp3A, %reduce_sum3A [0] : vector<1000x512xf32> to vector<512xf32>
    %broadcast_in_dim3A_8 = vector.shape_cast %reduce_sum3A_7 : vector<512xf32> to vector<1x512xf32>
    %iota3A = tpu.iota {dimensions = array<i32: 0>} : vector<1000x512xi32>
    %eq3A = vector.broadcast %get3A_4 : vector<1x512xi32> to vector<1000x512xi32>
    %eq3A_9 = arith.cmpi eq, %iota3A, %eq3A : vector<1000x512xi32>
    %jit3A = arith.constant 0.000000e+00 : f32
    %broadcast_in_dim3A_10 = vector.broadcast %jit3A : f32 to vector<1000x512xf32>
    %select_n3A = arith.select %eq3A_9, %get3A_1, %broadcast_in_dim3A_10 : vector<1000x512xi1>, vector<1000x512xf32>
    %reduce_sum3A_11 = arith.constant dense<0.000000e+00> : vector<512xf32>
    %reduce_sum3A_12 = vector.multi_reduction <add>, %select_n3A, %reduce_sum3A_11 [0] : vector<1000x512xf32> to vector<512xf32>
    %broadcast_in_dim3A_13 = vector.shape_cast %reduce_sum3A_12 : vector<512xf32> to vector<1x512xf32>
    %log3A = math.log %broadcast_in_dim3A_8 : vector<1x512xf32>
    %add3A = arith.addf %broadcast_in_dim3A, %log3A : vector<1x512xf32>
    %swap3A = arith.constant 0 : index
    %swap3A_14 = arith.constant 0 : index
    %swap3A_15 = vector.load %arg9[%swap3A, %swap3A_14] : memref<1x2048xf32, #tpu.memory_space<vmem>>, vector<1x512xf32>
    tpu.vector_store %arg9[%swap3A, %swap3A_14], %add3A {strides = array<i32>} : memref<1x2048xf32, #tpu.memory_space<vmem>>, vector<1x512xf32>,
    %swap3A_16 = arith.constant 0 : index
    %swap3A_17 = arith.constant 0 : index
    %swap3A_18 = vector.load %arg10[%swap3A_16, %swap3A_17] : memref<1x2048xf32, #tpu.memory_space<vmem>>, vector<1x512xf32>
    tpu.vector_store %arg10[%swap3A_16, %swap3A_17], %broadcast_in_dim3A_13 {strides = array<i32>} : memref<1x2048xf32, #tpu.memory_space<vmem>>, vector<1x512xf32>,
    %get3A_19 = arith.constant 0 : index
    %get3A_20 = arith.constant 0 : index
    %get3A_21 = vector.load %arg2[%get3A_19, %get3A_20] : memref<1000x512xf32, #tpu.memory_space<vmem>>, vector<1000x512xf32>
    %get3A_22 = arith.constant 0 : index
    %get3A_23 = arith.constant 0 : index
    %get3A_24 = vector.load %arg6[%get3A_22, %get3A_23] : memref<1x512xi32, #tpu.memory_space<vmem>>, vector<1x512xi32>
    %reduce_max3A_25 = arith.constant dense<0xFF800000> : vector<512xf32>
    %reduce_max3A_26 = vector.multi_reduction <maximumf>, %get3A_21, %reduce_max3A_25 [0] : vector<1000x512xf32> to vector<512xf32>
    %broadcast_in_dim3A_27 = vector.shape_cast %reduce_max3A_26 : vector<512xf32> to vector<1x512xf32>
    %sub3A_28 = vector.broadcast %broadcast_in_dim3A_27 : vector<1x512xf32> to vector<1000x512xf32>
    %sub3A_29 = arith.subf %get3A_21, %sub3A_28 : vector<1000x512xf32>
    %exp3A_30 = math.exp %sub3A_29 : vector<1000x512xf32>
    %reduce_sum3A_31 = arith.constant dense<0.000000e+00> : vector<512xf32>
    %reduce_sum3A_32 = vector.multi_reduction <add>, %exp3A_30, %reduce_sum3A_31 [0] : vector<1000x512xf32> to vector<512xf32>
    %broadcast_in_dim3A_33 = vector.shape_cast %reduce_sum3A_32 : vector<512xf32> to vector<1x512xf32>
    %iota3A_34 = tpu.iota {dimensions = array<i32: 0>} : vector<1000x512xi32>
    %eq3A_35 = vector.broadcast %get3A_24 : vector<1x512xi32> to vector<1000x512xi32>
    %eq3A_36 = arith.cmpi eq, %iota3A_34, %eq3A_35 : vector<1000x512xi32>
    %jit3A_37 = arith.constant 0.000000e+00 : f32
    %broadcast_in_dim3A_38 = vector.broadcast %jit3A_37 : f32 to vector<1000x512xf32>
    %select_n3A_39 = arith.select %eq3A_36, %get3A_21, %broadcast_in_dim3A_38 : vector<1000x512xi1>, vector<1000x512xf32>
    %reduce_sum3A_40 = arith.constant dense<0.000000e+00> : vector<512xf32>
    %reduce_sum3A_41 = vector.multi_reduction <add>, %select_n3A_39, %reduce_sum3A_40 [0] : vector<1000x512xf32> to vector<512xf32>
    %broadcast_in_dim3A_42 = vector.shape_cast %reduce_sum3A_41 : vector<512xf32> to vector<1x512xf32>
    %log3A_43 = math.log %broadcast_in_dim3A_33 : vector<1x512xf32>
    %add3A_44 = arith.addf %broadcast_in_dim3A_27, %log3A_43 : vector<1x512xf32>
    %swap3A_45 = arith.constant 0 : index
    %swap3A_46 = arith.constant 512 : index
    %swap3A_47 = vector.load %arg9[%swap3A_45, %swap3A_46] : memref<1x2048xf32, #tpu.memory_space<vmem>>, vector<1x512xf32>
    tpu.vector_store %arg9[%swap3A_45, %swap3A_46], %add3A_44 {strides = array<i32>} : memref<1x2048xf32, #tpu.memory_space<vmem>>, vector<1x512xf32>,
    %swap3A_48 = arith.constant 0 : index
    %swap3A_49 = arith.constant 512 : index
    %swap3A_50 = vector.load %arg10[%swap3A_48, %swap3A_49] : memref<1x2048xf32, #tpu.memory_space<vmem>>, vector<1x512xf32>
    tpu.vector_store %arg10[%swap3A_48, %swap3A_49], %broadcast_in_dim3A_42 {strides = array<i32>} : memref<1x2048xf32, #tpu.memory_space<vmem>>, vector<1x512xf32>,
    %get3A_51 = arith.constant 0 : index
    %get3A_52 = arith.constant 0 : index
    %get3A_53 = vector.load %arg3[%get3A_51, %get3A_52] : memref<1000x512xf32, #tpu.memory_space<vmem>>, vector<1000x512xf32>
    %get3A_54 = arith.constant 0 : index
    %get3A_55 = arith.constant 0 : index
    %get3A_56 = vector.load %arg7[%get3A_54, %get3A_55] : memref<1x512xi32, #tpu.memory_space<vmem>>, vector<1x512xi32>
    %reduce_max3A_57 = arith.constant dense<0xFF800000> : vector<512xf32>
    %reduce_max3A_58 = vector.multi_reduction <maximumf>, %get3A_53, %reduce_max3A_57 [0] : vector<1000x512xf32> to vector<512xf32>
    %broadcast_in_dim3A_59 = vector.shape_cast %reduce_max3A_58 : vector<512xf32> to vector<1x512xf32>
    %sub3A_60 = vector.broadcast %broadcast_in_dim3A_59 : vector<1x512xf32> to vector<1000x512xf32>
    %sub3A_61 = arith.subf %get3A_53, %sub3A_60 : vector<1000x512xf32>
    %exp3A_62 = math.exp %sub3A_61 : vector<1000x512xf32>
    %reduce_sum3A_63 = arith.constant dense<0.000000e+00> : vector<512xf32>
    %reduce_sum3A_64 = vector.multi_reduction <add>, %exp3A_62, %reduce_sum3A_63 [0] : vector<1000x512xf32> to vector<512xf32>
    %broadcast_in_dim3A_65 = vector.shape_cast %reduce_sum3A_64 : vector<512xf32> to vector<1x512xf32>
    %iota3A_66 = tpu.iota {dimensions = array<i32: 0>} : vector<1000x512xi32>
    %eq3A_67 = vector.broadcast %get3A_56 : vector<1x512xi32> to vector<1000x512xi32>
    %eq3A_68 = arith.cmpi eq, %iota3A_66, %eq3A_67 : vector<1000x512xi32>
    %jit3A_69 = arith.constant 0.000000e+00 : f32
    %broadcast_in_dim3A_70 = vector.broadcast %jit3A_69 : f32 to vector<1000x512xf32>
    %select_n3A_71 = arith.select %eq3A_68, %get3A_53, %broadcast_in_dim3A_70 : vector<1000x512xi1>, vector<1000x512xf32>
    %reduce_sum3A_72 = arith.constant dense<0.000000e+00> : vector<512xf32>
    %reduce_sum3A_73 = vector.multi_reduction <add>, %select_n3A_71, %reduce_sum3A_72 [0] : vector<1000x512xf32> to vector<512xf32>
    %broadcast_in_dim3A_74 = vector.shape_cast %reduce_sum3A_73 : vector<512xf32> to vector<1x512xf32>
    %log3A_75 = math.log %broadcast_in_dim3A_65 : vector<1x512xf32>
    %add3A_76 = arith.addf %broadcast_in_dim3A_59, %log3A_75 : vector<1x512xf32>
    %swap3A_77 = arith.constant 0 : index
    %swap3A_78 = arith.constant 1024 : index
    %swap3A_79 = vector.load %arg9[%swap3A_77, %swap3A_78] : memref<1x2048xf32, #tpu.memory_space<vmem>>, vector<1x512xf32>
    tpu.vector_store %arg9[%swap3A_77, %swap3A_78], %add3A_76 {strides = array<i32>} : memref<1x2048xf32, #tpu.memory_space<vmem>>, vector<1x512xf32>,
    %swap3A_80 = arith.constant 0 : index
    %swap3A_81 = arith.constant 1024 : index
    %swap3A_82 = vector.load %arg10[%swap3A_80, %swap3A_81] : memref<1x2048xf32, #tpu.memory_space<vmem>>, vector<1x512xf32>
    tpu.vector_store %arg10[%swap3A_80, %swap3A_81], %broadcast_in_dim3A_74 {strides = array<i32>} : memref<1x2048xf32, #tpu.memory_space<vmem>>, vector<1x512xf32>,
    %get3A_83 = arith.constant 0 : index
    %get3A_84 = arith.constant 0 : index
    %get3A_85 = vector.load %arg4[%get3A_83, %get3A_84] : memref<1000x512xf32, #tpu.memory_space<vmem>>, vector<1000x512xf32>
    %get3A_86 = arith.constant 0 : index
    %get3A_87 = arith.constant 0 : index
    %get3A_88 = vector.load %arg8[%get3A_86, %get3A_87] : memref<1x512xi32, #tpu.memory_space<vmem>>, vector<1x512xi32>
    %reduce_max3A_89 = arith.constant dense<0xFF800000> : vector<512xf32>
    %reduce_max3A_90 = vector.multi_reduction <maximumf>, %get3A_85, %reduce_max3A_89 [0] : vector<1000x512xf32> to vector<512xf32>
    %broadcast_in_dim3A_91 = vector.shape_cast %reduce_max3A_90 : vector<512xf32> to vector<1x512xf32>
    %sub3A_92 = vector.broadcast %broadcast_in_dim3A_91 : vector<1x512xf32> to vector<1000x512xf32>
    %sub3A_93 = arith.subf %get3A_85, %sub3A_92 : vector<1000x512xf32>
    %exp3A_94 = math.exp %sub3A_93 : vector<1000x512xf32>
    %reduce_sum3A_95 = arith.constant dense<0.000000e+00> : vector<512xf32>
    %reduce_sum3A_96 = vector.multi_reduction <add>, %exp3A_94, %reduce_sum3A_95 [0] : vector<1000x512xf32> to vector<512xf32>
    %broadcast_in_dim3A_97 = vector.shape_cast %reduce_sum3A_96 : vector<512xf32> to vector<1x512xf32>
    %iota3A_98 = tpu.iota {dimensions = array<i32: 0>} : vector<1000x512xi32>
    %eq3A_99 = vector.broadcast %get3A_88 : vector<1x512xi32> to vector<1000x512xi32>
    %eq3A_100 = arith.cmpi eq, %iota3A_98, %eq3A_99 : vector<1000x512xi32>
    %jit3A_101 = arith.constant 0.000000e+00 : f32
    %broadcast_in_dim3A_102 = vector.broadcast %jit3A_101 : f32 to vector<1000x512xf32>
    %select_n3A_103 = arith.select %eq3A_100, %get3A_85, %broadcast_in_dim3A_102 : vector<1000x512xi1>, vector<1000x512xf32>
    %reduce_sum3A_104 = arith.constant dense<0.000000e+00> : vector<512xf32>
    %reduce_sum3A_105 = vector.multi_reduction <add>, %select_n3A_103, %reduce_sum3A_104 [0] : vector<1000x512xf32> to vector<512xf32>
    %broadcast_in_dim3A_106 = vector.shape_cast %reduce_sum3A_105 : vector<512xf32> to vector<1x512xf32>
    %log3A_107 = math.log %broadcast_in_dim3A_97 : vector<1x512xf32>
    %add3A_108 = arith.addf %broadcast_in_dim3A_91, %log3A_107 : vector<1x512xf32>
    %swap3A_109 = arith.constant 0 : index
    %swap3A_110 = arith.constant 1536 : index
    %swap3A_111 = vector.load %arg9[%swap3A_109, %swap3A_110] : memref<1x2048xf32, #tpu.memory_space<vmem>>, vector<1x512xf32>
    tpu.vector_store %arg9[%swap3A_109, %swap3A_110], %add3A_108 {strides = array<i32>} : memref<1x2048xf32, #tpu.memory_space<vmem>>, vector<1x512xf32>,
    %swap3A_112 = arith.constant 0 : index
    %swap3A_113 = arith.constant 1536 : index
    %swap3A_114 = vector.load %arg10[%swap3A_112, %swap3A_113] : memref<1x2048xf32, #tpu.memory_space<vmem>>, vector<1x512xf32>
    tpu.vector_store %arg10[%swap3A_112, %swap3A_113], %broadcast_in_dim3A_106 {strides = array<i32>} : memref<1x2048xf32, #tpu.memory_space<vmem>>, vector<1x512xf32>,
    return
  }
  func.func @transform_0(%arg0: i32) -> (i32, i32) {
    %mul3A = arith.constant 4 : i32
    %mul3A_0 = arith.muli %arg0, %mul3A : i32
    %add3A = arith.constant 0 : i32
    %add3A_1 = arith.addi %mul3A_0, %add3A : i32
    %c0_i32 = arith.constant 0 : i32
    %c0_i32_2 = arith.constant 0 : i32
    return %c0_i32, %add3A_1 : i32, i32
  }
  func.func @transform_1(%arg0: i32) -> (i32, i32) {
    %mul3A = arith.constant 4 : i32
    %mul3A_0 = arith.muli %arg0, %mul3A : i32
    %add3A = arith.constant 1 : i32
    %add3A_1 = arith.addi %mul3A_0, %add3A : i32
    %c0_i32 = arith.constant 0 : i32
    %c0_i32_2 = arith.constant 0 : i32
    return %c0_i32, %add3A_1 : i32, i32
  }
  func.func @transform_2(%arg0: i32) -> (i32, i32) {
    %mul3A = arith.constant 4 : i32
    %mul3A_0 = arith.muli %arg0, %mul3A : i32
    %add3A = arith.constant 2 : i32
    %add3A_1 = arith.addi %mul3A_0, %add3A : i32
    %c0_i32 = arith.constant 0 : i32
    %c0_i32_2 = arith.constant 0 : i32
    return %c0_i32, %add3A_1 : i32, i32
  }
  func.func @transform_3(%arg0: i32) -> (i32, i32) {
    %mul3A = arith.constant 4 : i32
    %mul3A_0 = arith.muli %arg0, %mul3A : i32
    %add3A = arith.constant 3 : i32
    %add3A_1 = arith.addi %mul3A_0, %add3A : i32
    %c0_i32 = arith.constant 0 : i32
    %c0_i32_2 = arith.constant 0 : i32
    return %c0_i32, %add3A_1 : i32, i32
  }
  func.func @transform_4(%arg0: i32) -> (i32, i32) {
    %mul3A = arith.constant 4 : i32
    %mul3A_0 = arith.muli %arg0, %mul3A : i32
    %add3A = arith.constant 0 : i32
    %add3A_1 = arith.addi %mul3A_0, %add3A : i32
    %c0_i32 = arith.constant 0 : i32
    %c0_i32_2 = arith.constant 0 : i32
    return %c0_i32, %add3A_1 : i32, i32
  }
  func.func @transform_5(%arg0: i32) -> (i32, i32) {
    %mul3A = arith.constant 4 : i32
    %mul3A_0 = arith.muli %arg0, %mul3A : i32
    %add3A = arith.constant 1 : i32
    %add3A_1 = arith.addi %mul3A_0, %add3A : i32
    %c0_i32 = arith.constant 0 : i32
    %c0_i32_2 = arith.constant 0 : i32
    return %c0_i32, %add3A_1 : i32, i32
  }
  func.func @transform_6(%arg0: i32) -> (i32, i32) {
    %mul3A = arith.constant 4 : i32
    %mul3A_0 = arith.muli %arg0, %mul3A : i32
    %add3A = arith.constant 2 : i32
    %add3A_1 = arith.addi %mul3A_0, %add3A : i32
    %c0_i32 = arith.constant 0 : i32
    %c0_i32_2 = arith.constant 0 : i32
    return %c0_i32, %add3A_1 : i32, i32
  }
  func.func @transform_7(%arg0: i32) -> (i32, i32) {
    %mul3A = arith.constant 4 : i32
    %mul3A_0 = arith.muli %arg0, %mul3A : i32
    %add3A = arith.constant 3 : i32
    %add3A_1 = arith.addi %mul3A_0, %add3A : i32
    %c0_i32 = arith.constant 0 : i32
    %c0_i32_2 = arith.constant 0 : i32
    return %c0_i32, %add3A_1 : i32, i32
  }
  func.func @transform_8(%arg0: i32) -> (i32, i32) {
    %c0_i32 = arith.constant 0 : i32
    %c0_i32_0 = arith.constant 0 : i32
    return %c0_i32, %arg0 : i32, i32
  }
  func.func @transform_9(%arg0: i32) -> (i32, i32) {
    %c0_i32 = arith.constant 0 : i32
    %c0_i32_0 = arith.constant 0 : i32
    return %c0_i32, %arg0 : i32, i32
  }
}

</mosaic_0001>

<sc_bundles>
// kernel: kernel.5.cloned.1.call-start
scs
__scs_entry_jumppad:
0x0: {  	(pc) =	sbr.rel $0x88, $3  }
0x1: {  	(tag) =	ssettag $0x0;
	lr =	simm.s32 $0x1  }
0x2: {  	[smem:$0x3F9E] =	sst lr;
	_ =	strace $0xD0000000  }
0x3: {  	_ = 	snop  }
0x4: {  	_ = 	snop  }
0x5: {  	_ = 	snop  }
0x6: {  	_ = 	snop  }
0x7: {  	_ = 	snop  }
__scs_overlays_trampoline_lowered:
0x8: {  	[smem:$0x3FAD] =	sst s0  }
0x9: {  	[smem:$0x3FAE] =	sst s1  }
0xa: {  	[smem:$0x3FAF] =	sst s2  }
0xb: {  	[smem:$0x3FB0] =	sst s3  }
0xc: {  	[smem:$0x3FB1] =	sst s4  }
0xd: {  	[smem:$0x3FB2] =	sst s5  }
0xe: {  	[smem:$0x3FB3] =	sst s6  }
0xf: {  	[smem:$0x3FB4] =	sst s7  }
0x10: {  	[smem:$0x3FB5] =	sst s8  }
0x11: {  	[smem:$0x3FB6] =	sst s9;
	s0 =	simm.s32 @!p0 $0x0  }
0x12: {  	s1 =	sld [smem:$0x3F9C];
	s0 =	simm.s32 @p0 $0x1  }
0x13: {  	[smem:$0x3FB7] =	sst s0;
	s0 =	simm.s32 @!p1 $0x0  }
0x14: {  	s2 =	sld [smem:$0x3F9B];
	s0 =	simm.s32 @p1 $0x1  }
0x15: {  	[smem:$0x3FB8] =	sst s0;
	s0 =	simm.s32 @!p2 $0x0  }
0x16: {  	s3 =	sld [smem:$0x3FDB];
	s0 =	simm.s32 @p2 $0x1  }
0x17: {  	s4 =	simm.s32 $0x1BF5;
	[smem:$0x3FBA] =	sst s0  }
0x18: {  	s0 =	sld [smem:$0x3F9D];
	_ =	swait.ge [sflag:s4], $0x0  }
0x19: {  	s7 =	sld [smem:$0x3F9E]  }
0x1a: {  	s8 =	sadd.s32 $0xFFFFE003, lr  }
0x1b: {  	s9 =	sadd.s32 $0xFFFFFEF7, lr;
	s5 =	simm.s32 $0xFFFFFFFF;
	p2 =	slt.u32 s8, $0xFFFFF086  }
0x1c: {  	p1 =	slt.u32 s9, $0xF7A;
	s5 =	simm.s32 @!p2 $0x0  }
0x1d: {  	s5 =	simm.s32 @p1 $0x1;
	p0 =	seq.s32 s7, s2  }
0x1e: {  	s7 =	smul.u32 @!p0 $0xF7A, s2;
	p2 =	seq.s32 @!p0 s5, $0x0  }
0x1f: {  	s9 =	smul.u32 $0xF7A, s1;
	s8 =	simm.s32 @!p0 $0x1BF5;
	p2 =	por !p2, p0  }
0x20: {  	[sflag:s8] =	ssyncset.s32 @!p0 $0xFFFFF086;
	s6 =	sadd.s32 @!p0 s3, s7;
	s7 =	simm.s32 @!p0 $0x108  }
0x21: {  	s3 =	sadd.s32 s3, s9;
	s6 =	sadd.s32 @!p0 $0x88, s6;
	s7 =	simm.s32 @p2 $0x1082  }
0x22: {  	[simem:s7], [sflag:s8] =	dma.local @!p0 [hbm:s6], $0xF7A  }
0x23: {  	s9 =	sor.u32 $0xD0000000, s2;
	s6 =	simm.s32 $0x108;
	_ =	swait.ge @!p0 [sflag:s8], $0x0  }
0x24: {  	s3 =	sadd.s32 $0x88, s3;
	s6 =	simm.s32 @!p1 $0x1082;
	[sflag:s4] =	ssyncset.s32 $0xFFFFF086  }
0x25: {  	[simem:s6], [sflag:s4] =	dma.local [hbm:s3], $0xF7A  }
0x26: {  	[smem:$0x3F9E] =	sst s1;
	(tag) =	ssettag s2;
	_ =	strace s9  }
0x27: {  	s1 =	sld [smem:$0x3FAE]  }
0x28: {  	s2 =	sld [smem:$0x3FAF]  }
0x29: {  	s4 =	sld [smem:$0x3FB1]  }
0x2a: {  	p0 =	seq.s32 s5, $0x0;
	s5 =	sld [smem:$0x3FB2]  }
0x2b: {  	s6 =	sld [smem:$0x3FB3]  }
0x2c: {  	s7 =	sld [smem:$0x3FB4]  }
0x2d: {  	s3 =	simm.s32 $0x108;
	s8 =	sld [smem:$0x3FB5]  }
0x2e: {  	s3 =	simm.s32 @!p0 $0x1082;
	s9 =	sld [smem:$0x3FB6]  }
0x2f: {  	lr =	sadd.s32 s0, s3;
	s0 =	sld [smem:$0x3FAD]  }
0x30: {  	s3 =	sld [smem:$0x3FB0]  }
0x31: {  	[smem:$0x3FB9] =	sst s10  }
0x32: {  	s10 =	sld [smem:$0x3FB7];
	_ =	sdelay $0x3  }
0x33: {  	p0 =	seq.s32 s10, $0x1;
	s10 =	sld [smem:$0x3FB9];
	_ =	sdelay $0x3  }
0x34: {  	[smem:$0x3FB9] =	sst s10  }
0x35: {  	s10 =	sld [smem:$0x3FB8];
	_ =	sdelay $0x3  }
0x36: {  	p1 =	seq.s32 s10, $0x1;
	s10 =	sld [smem:$0x3FB9];
	_ =	sdelay $0x3  }
0x37: {  	[smem:$0x3FB9] =	sst s10  }
0x38: {  	s10 =	sld [smem:$0x3FBA]  }
0x39: {  	_ = 	snop;
	(pc) =	sbr.ind lr, $3  }
0x3a: {  	_ = 	snop  }
0x3b: {  	_ = 	snop  }
0x3c: {  	p2 =	seq.s32 s10, $0x1;
	s10 =	sld [smem:$0x3FB9]  }
0x3d: {  	_ =	shalt  }
0x3e: {  	_ =	shalt  }
0x3f: {  	_ =	shalt  }
0x40: {  	_ =	shalt  }
0x41: {  	_ =	shalt  }
0x42: {  	_ =	shalt  }
0x43: {  	_ =	shalt  }
0x44: {  	_ =	shalt  }
0x45: {  	_ =	shalt  }
0x46: {  	_ =	shalt  }
0x47: {  	_ =	shalt  }
0x48: {  	_ =	shalt  }
0x49: {  	_ =	shalt  }
0x4a: {  	_ =	shalt  }
0x4b: {  	_ =	shalt  }
0x4c: {  	_ =	shalt  }
0x4d: {  	_ =	shalt  }
0x4e: {  	_ =	shalt  }
0x4f: {  	_ =	shalt  }
0x50: {  	_ =	shalt  }
0x51: {  	_ =	shalt  }
0x52: {  	_ =	shalt  }
0x53: {  	_ =	shalt  }
0x54: {  	_ =	shalt  }
0x55: {  	_ =	shalt  }
0x56: {  	_ =	shalt  }
0x57: {  	_ =	shalt  }
0x58: {  	_ =	shalt  }
0x59: {  	_ =	shalt  }
0x5a: {  	_ =	shalt  }
0x5b: {  	_ =	shalt  }
0x5c: {  	_ =	shalt  }
0x5d: {  	_ =	shalt  }
0x5e: {  	_ =	shalt  }
0x5f: {  	_ =	shalt  }
0x60: {  	_ =	shalt  }
0x61: {  	_ =	shalt  }
0x62: {  	_ =	shalt  }
0x63: {  	_ =	shalt  }
0x64: {  	_ =	shalt  }
0x65: {  	_ =	shalt  }
0x66: {  	_ =	shalt  }
0x67: {  	_ =	shalt  }
0x68: {  	_ =	shalt  }
0x69: {  	_ =	shalt  }
0x6a: {  	_ =	shalt  }
0x6b: {  	_ =	shalt  }
0x6c: {  	_ =	shalt  }
0x6d: {  	_ =	shalt  }
0x6e: {  	_ =	shalt  }
0x6f: {  	_ =	shalt  }
0x70: {  	_ =	shalt  }
0x71: {  	_ =	shalt  }
0x72: {  	_ =	shalt  }
0x73: {  	_ =	shalt  }
0x74: {  	_ =	shalt  }
0x75: {  	_ =	shalt  }
0x76: {  	_ =	shalt  }
0x77: {  	_ =	shalt  }
0x78: {  	_ =	shalt  }
0x79: {  	_ =	shalt  }
0x7a: {  	_ =	shalt  }
0x7b: {  	_ =	shalt  }
0x7c: {  	_ =	shalt  }
0x7d: {  	_ =	shalt  }
0x7e: {  	_ =	shalt  }
0x7f: {  	_ =	shalt  }
0x80: {  	_ =	shalt  }
0x81: {  	_ =	shalt  }
0x82: {  	_ =	shalt  }
0x83: {  	_ =	shalt  }
0x84: {  	_ =	shalt  }
0x85: {  	_ =	shalt  }
0x86: {  	_ =	shalt  }
0x87: {  	_ =	shalt  }
.Lfunc_end0:
.L_simem_size_0:
called_computation_lowered:
.L_overlay_start_0:
0x88: {  	s2 =	sld [smem:$0x3FD9]  }
0x89: {  	s3 =	sld [smem:$0x3FFE];
	_ =	sdelay $0x1  }
0x8a: {  	s1 =	srdreg.scid  }
0x8b: {  	s0 =	sand.u32 $0x1, s1  }
0x8c: {  	s17 =	sshll.u32 s0, $0xA;
	s2 =	sadd.s32 s3, s2  }
0x8d: {  	s2 =	sadd.s32 s2, s17  }
0x8e: {  	[smem:$0x3FC5] =	sst s2  }
0x8f: {  	_ = 	snop  }
0x90: {  	s2 =	sld [smem:$0x3FC8]  }
0x91: {  	s18 =	sld [smem:$0x3FC7];
	(tm) =	ssettm $0x1  }
0x92: {  	s4 =	sld [smem:$0x3FFB];
	_ =	sdelay $0x3  }
0x93: {  	_ =	strace s4  }
0x94: {  	s4 =	sld [smem:$0x3FFC];
	_ =	sdelay $0x3  }
0x95: {  	_ =	strace s4  }
0x96: {  	s4 =	sld [smem:$0x3FFD];
	_ =	sdelay $0x3  }
0x97: {  	_ =	strace s4  }
0x98: {  	_ =	strace $0x8FFFFFFF  }
0x99: {  	s19 =	sld [smem:$0x3FDB];
	_ =	sdelay $0x1  }
0x9a: {  	s5 =	simm.s32 $_scs_section_size  }
0x9b: {  	s6 =	simm.s32 $_size__tile_overlayer_lowered;
	s7 =	simm.s32 $_tile_overlayer_lowered  }
0x9c: {  	s22 =	simm.s32 $0x1BFF;
	s21 =	sshll.u32 s7, $0x1;
	s4 =	sadd.s32 s5, s19  }
0x9d: {  	s8 =	simm.s32 $0x0;
	s20 =	sshll.u32 s6, $0x1;
	s6 =	sadd.s32 s21, s4  }
0x9e: {  	[timem:s8], [sflag:s22] =	dma.local [hbm:s6], s20  }
0x9f: {  	_ =	swait.ge [sflag:s22], s20  }
0xa0: {  	s5 =	ssub.s32 $0x0, s20;
	[sflag:s22] =	ssyncset.done $0x0  }
0xa1: {  	[sflag:s22] =	ssyncadd.s32 s5;
	_ =	sdelay $0x1  }
0xa2: {  	s23 =	simm.s32 $0x1B8B  }
0xa3: {  	_ =	swait.ge [sflag:s23], $0x1  }
0xa4: {  	[sflag:s23] =	ssyncset.done $0x0  }
0xa5: {  	s25 =	simm.s32 $0x1B8E;
	s24 =	sld [smem:$0x3FFE];
	[sflag:s23] =	ssyncadd.s32 $0xFFFFFFFF  }
0xa6: {  	s26 =	simm.s32 $execute0_lowered;
	[smem:$0x3FD2] =	sst s25  }
0xa7: {  	s6 =	sshll.u32 s26, $0x1;
	_ =	strace $0x80000046;
	[dreg:$0x1] =	wrdreg $0xFFFFFFFF  }
0xa8: {  	s28 =	simm.s32 $_size_execute0_lowered;
	s4 =	sadd.s32 s4, s6;
	[dreg:$0x0] =	wrdreg $0x0  }
0xa9: {  	s6 =	sshll.u32 s28, $0x1;
	[dreg:$0x2] =	wrdreg s4  }
0xaa: {  	[dreg:$0x3] =	wrdreg s6  }
0xab: {  	[dreg:$0x4] =	wrdreg $0xC0  }
0xac: {  	_ =	task [dreg:s8], $0x5FFFF  }
0xad: {  	[dreg:$0x1] =	wrdreg $0xFFFFFFFF  }
0xae: {  	[dreg:$0x0] =	wrdreg $0x60  }
0xaf: {  	[dreg:$0x2] =	wrdreg s2  }
0xb0: {  	[dreg:$0x3] =	wrdreg s18  }
0xb1: {  	[dreg:$0x4] =	wrdreg s24  }
0xb2: {  	[dreg:$0x5] =	wrdreg $0x9  }
0xb3: {  	_ =	task.clear_ibuf [dreg:s8], $0x6FFFF;
	_ =	strace $0x90000046  }
0xb4: {  	s29 =	simm.s32 $0x9;
	_ =	strace $0x80000048  }
0xb5: {  	_ =	swait.ge [sflag:s29], $0x1  }
0xb6: {  	[sflag:s29] =	ssyncadd.s32 $0xFFFFFFFF  }
0xb7: {  	_ =	strace $0x90000048  }
0xb8: {  	_ =	sfence  }
0xb9: {  	s30 =	sld [smem:$0x0];
	_ =	sdelay $0x2  }
0xba: {  	s31 =	sshll.u32 s1, $0xD;
	s1 =	sshrl.u32 s1, $0x2  }
0xbb: {  	s3 =	sand.u32 $0x4000, s31;
	s1 =	sadd.s32 s1, s30  }
0xbc: {  	s0 =	sor.u32 s3, s0;
	s1 =	sshll.u32 s1, $0x11  }
0xbd: {  	s0 =	sor.u32 s1, s0  }
0xbe: {  	s0 =	sadd.s32 $0x8F2B, s0  }
0xbf: {  	[sflag:s0] =	ssyncadd.remote.s32 $0x1  }
0xc0: {  	_ =	sfence.sel $0xFFFF  }
0xc1: {  	[dreg:$0x0] =	wrdreg $0xFFFFFFFF;
	(pc) =	sbr.abs _section_cstart, $3  }
0xc2: {  	[dreg:$0x1] =	wrdreg $0xFFFFFFFF  }
0xc3: {  	_ =	task.clear_ibuf [dreg:s8], $0x2FFFF;
	_ =	strace $0x9FFFFFFF  }
0xc4: {  	(tm) =	ssettm $0x7FFFFFFF  }
0xc5: {  	_ =	shalt  }
tec
execute0_lowered:
.L_overlay_start_1:
0x0: {  	(tag) =	ssettag $0x1  }
0x1: {  	s4 =	rddreg [dreg:$0x0]  }
0x2: {  	s2 =	rddreg [dreg:$0x1]  }
0x3: {  	s14 =	rddreg [dreg:$0x2];
	s3 =	srdreg.scid  }
0x4: {  	s0 =	rddreg [dreg:$0x3];
	s1 =	stileid.u32;
	s15 =	sand.u32 $0x1, s3  }
0x5: {  	s3 =	simm.s32 $0x0;
	s5 =	sshll.u32 s1, $0x7;
	s6 =	sshll.u32 s15, $0x6  }
0x6: {  	[smem:$0x7FF] =	sst s3;
	s16 =	sor.u32 s6, s5  }
0x7: {  	_ =	strace $0x80000047;
	s5 =	sadd.s32 s4, s16;
	s4 =	simm.s32 $0x2  }
0x8: {  	[tilespmem:s3], [sflag:$0x2] =	stream.linear.gather [hbm4b:s5+s3], $0x200, $0x38;
	[tilespmem:$0x400] =	vst v63  }
0x9: {  	_ =	swait.ge [sflag:s4], $0x200  }
0xa: {  	[sflag:s4] =	ssyncset.done $0x0  }
0xb: {  	s7 =	simm.s32 $0x200;
	s6 =	simm.s32 $0x80;
	[sflag:s4] =	ssyncadd.s32 $0xFFFFFE00  }
0xc: {  	[tilespmem:s7], [sflag:$0x1] =	stream.indirect.gather [hbm4b:s2+s6], $0x1, s3, s6, $0xb8;
	[tilespmem:$0x400] =	vst v63  }
0xd: {  	s8 =	simm.s32 $0x280  }
0xe: {  	[tilespmem:s8], [sflag:$0x1] =	stream.indirect.gather [hbm4b:s2+s6], $0x1, s6, s6, $0xb8;
	[tilespmem:$0x400] =	vst v63  }
0xf: {  	s9 =	simm.s32 $0x100;
	s10 =	simm.s32 $0x300  }
0x10: {  	[tilespmem:s10], [sflag:$0x1] =	stream.indirect.gather [hbm4b:s2+s6], $0x1, s9, s6, $0xb8;
	[tilespmem:$0x400] =	vst v63  }
0x11: {  	s11 =	simm.s32 $0x180;
	s12 =	simm.s32 $0x380;
	s13 =	simm.s32 $0x1  }
0x12: {  	[tilespmem:s12], [sflag:$0x1] =	stream.indirect.gather [hbm4b:s2+s6], $0x1, s11, s6, $0xb8;
	[tilespmem:$0x400] =	vst v63  }
0x13: {  	_ =	swait.ge [sflag:s13], $0x80  }
0x14: {  	[sflag:s13] =	ssyncset.done $0x0  }
0x15: {  	[sflag:s13] =	ssyncadd.s32 $0xFFFFFF80  }
0x16: {  	_ =	swait.ge [sflag:s13], $0x80  }
0x17: {  	[sflag:s13] =	ssyncset.done $0x0  }
0x18: {  	s15 =	ssub.s32 $0x2, s15;
	[sflag:s13] =	ssyncadd.s32 $0xFFFFFF80  }
0x19: {  	s17 =	sshrl.u32 s15, $0x1;
	_ =	swait.ge [sflag:s13], $0x80  }
0x1a: {  	s15 =	ssub.s32 s15, s17;
	[sflag:s13] =	ssyncset.done $0x0  }
0x1b: {  	s15 =	smax.u32 s15, $0x1;
	[sflag:s13] =	ssyncadd.s32 $0xFFFFFF80  }
0x1c: {  	p0 =	sne.s32 s15, $0x1;
	_ =	swait.ge [sflag:s13], $0x80  }
.Ltmp0:
0x1d: {  	s14 =	sadd.s32 s16, s14;
	[sflag:s13] =	ssyncset.done $0x0;
	(pc) =	sbr.rel @!p0 .LBB2_2-.Ltmp0, $4  }
0x1e: {  	s14 =	sadd.s32 $0xA00, s14;
	[sflag:s13] =	ssyncadd.s32 $0xFFFFFF80  }
0x1f: {  	[hbm4b:s14+s3] =	stream.linear.scatter [tilespmem:s7], [sflag:$0x2], $0x200, $0x38;
	[tilespmem:$0x400] =	vst v63  }
0x20: {  	_ =	swait.ge [sflag:s4], $0x200  }
0x21: {  	s15 =	sadd.s32 $0xFFFFFFFF, s15;
	[sflag:s4] =	ssyncset.done $0x0  }
.LBB2_1:
0x22: {  	p0 =	sne.s32 s15, $0x1;
	s15 =	sadd.s32 $0xFFFFFFFF, s15;
	[sflag:s4] =	ssyncadd.s32 $0xFFFFFE00  }
0x23: {  	[tilespmem:s3], [sflag:$0x2] =	stream.linear.gather [hbm4b:s5+s3], $0x200, $0x38;
	[tilespmem:$0x400] =	vst v63  }
0x24: {  	_ =	swait.ge [sflag:s4], $0x200  }
0x25: {  	[sflag:s4] =	ssyncset.done $0x0  }
0x26: {  	[sflag:s4] =	ssyncadd.s32 $0xFFFFFE00  }
0x27: {  	[tilespmem:s7], [sflag:$0x1] =	stream.indirect.gather [hbm4b:s2+s6], $0x1, s3, s6, $0xb8;
	[tilespmem:$0x400] =	vst v63  }
0x28: {  	_ = 	snop  }
0x29: {  	[tilespmem:s8], [sflag:$0x1] =	stream.indirect.gather [hbm4b:s2+s6], $0x1, s6, s6, $0xb8;
	[tilespmem:$0x400] =	vst v63  }
0x2a: {  	_ = 	snop  }
0x2b: {  	[tilespmem:s10], [sflag:$0x1] =	stream.indirect.gather [hbm4b:s2+s6], $0x1, s9, s6, $0xb8;
	[tilespmem:$0x400] =	vst v63  }
0x2c: {  	_ = 	snop  }
0x2d: {  	[tilespmem:s12], [sflag:$0x1] =	stream.indirect.gather [hbm4b:s2+s6], $0x1, s11, s6, $0xb8;
	[tilespmem:$0x400] =	vst v63  }
0x2e: {  	_ =	swait.ge [sflag:s13], $0x80  }
0x2f: {  	[sflag:s13] =	ssyncset.done $0x0  }
0x30: {  	[sflag:s13] =	ssyncadd.s32 $0xFFFFFF80  }
0x31: {  	_ =	swait.ge [sflag:s13], $0x80  }
0x32: {  	[sflag:s13] =	ssyncset.done $0x0  }
0x33: {  	[sflag:s13] =	ssyncadd.s32 $0xFFFFFF80  }
0x34: {  	_ =	swait.ge [sflag:s13], $0x80  }
0x35: {  	[sflag:s13] =	ssyncset.done $0x0  }
0x36: {  	[sflag:s13] =	ssyncadd.s32 $0xFFFFFF80  }
0x37: {  	_ =	swait.ge [sflag:s13], $0x80  }
.Ltmp1:
0x38: {  	[sflag:s13] =	ssyncset.done $0x0;
	(pc) =	sbr.rel @p0 .LBB2_1-.Ltmp1, $4  }
0x39: {  	[sflag:s13] =	ssyncadd.s32 $0xFFFFFF80  }
0x3a: {  	[hbm4b:s14+s3] =	stream.linear.scatter [tilespmem:s7], [sflag:$0x2], $0x200, $0x38;
	[tilespmem:$0x400] =	vst v63  }
0x3b: {  	_ =	swait.ge [sflag:s4], $0x200  }
0x3c: {  	[sflag:s4] =	ssyncset.done $0x0  }
.LBB2_2:
0x3d: {  	[sflag:s4] =	ssyncadd.s32 $0xFFFFFE00  }
0x3e: {  	_ =	sfence.sel $0x180000  }
0x3f: {  	[bflag:$0x0] =	sbarrier.arrive $0xFFFF  }
0x40: {  	p0 =	sne.s32 s1, $0x0;
	_ =	strace $0x90000047  }
0x41: {  	s0 =	sadd.s32 @!p0 $0x100000, s0;
	[bflag:$0x2] =	sbarrier.arrive $0xFFFF  }
0x42: {  	[sflag:s0] =	ssyncadd.tile.s32 @!p0 $0x1;
	_ =	shalt  }
.Lfunc_end2:
_tile_overlayer_lowered:
.L_overlay_start_2:
0x43: {  	(tag) =	ssettag $0x2  }
0x44: {  	s0 =	rddreg [dreg:$0x0];
	s2 =	stileid.u32  }
0x45: {  	s1 =	rddreg [dreg:$0x1];
	p0 =	sne.s32 s2, $0x0  }
0x46: {  	s3 =	rddreg [dreg:$0x2];
	[bflag:$0x3] =	sbarrier.arrive $0xFFFF;
	s2 =	simm.s32 @!p0 $0x1C02  }
0x47: {  	[timem:s3], [sflag:s2] =	dma.local @!p0 [hbm:s0], s1  }
0x48: {  	s0 =	simm.s32 @!p0 $0x2  }
0x49: {  	_ =	swait.ge @!p0 [sflag:s0], s1  }
0x4a: {  	s1 =	ssub.s32 @!p0 $0x0, s1;
	[sflag:s0] =	ssyncset.done @!p0 $0x0  }
0x4b: {  	[sflag:s0] =	ssyncadd.s32 @!p0 s1  }
0x4c: {  	[bflag:$0x3] =	sbarrier.arrive $0xFFFF  }
0x4d: {  	_ =	shalt  }

</sc_bundles>
